<compile_context>
chip_gen: v7x
topology: tpu7x:2x2x1
jax: 0.10.2.dev20260603
libtpu: 0.0.44.dev20260713+nightly
codegen_flags: <defaults>
</compile_context>

<pallas_src>
import functools

import jax
import jax.numpy as jnp
from jax.experimental import pallas as pl
from jax.experimental.pallas import tpu as pltpu

TH, TW = 15, 15
PAD_HT = (TH - 1) // 2
PAD_WL = (TW - 1) // 2
MARGIN = 0.25
GAMMA = 256.0
NEG = -1e30
PEN = -1e35


def _loss_body(x_ref, m_ref, o_ref, mp_a, sp_a, mn_a, sn_a, *,
               nrows, W, r0, r1, c0, c1):
    i = pl.program_id(0)
    nsub = nrows // 8

    @pl.when(i == 0)
    def _init():
        mp_a[...] = jnp.full((8, W), NEG, jnp.float32)
        sp_a[...] = jnp.zeros((8, W), jnp.float32)
        mn_a[...] = jnp.full((8, W), NEG, jnp.float32)
        sn_a[...] = jnp.zeros((8, W), jnp.float32)

    x = x_ref[...]
    tm = m_ref[...].reshape(nsub, 8, W)

    rid = jax.lax.broadcasted_iota(jnp.int32, (nrows, 1), 0) + i * nrows
    rowpen = jnp.where((rid >= r0) & (rid < r1), 0.0, PEN)

    K = GAMMA * 1.4426950408889634
    y = x * K
    lp = jnp.maximum(K * (1.0 + MARGIN) - y, 0.0) * ((1.0 - MARGIN) - x)
    ln = jnp.maximum(y + K * MARGIN, 0.0) * (x - MARGIN) + rowpen
    lP = jnp.where(tm, lp.reshape(nsub, 8, W), PEN)
    lN = jnp.where(tm, PEN, ln.reshape(nsub, 8, W))

    mp_old = mp_a[...]
    mn_old = mn_a[...]
    mp = jnp.maximum(mp_old, jnp.max(lP, axis=0))
    mn = jnp.maximum(mn_old, jnp.max(lN, axis=0))

    ep = jnp.exp2(lP - mp[None, :, :])
    en = jnp.exp2(lN - mn[None, :, :])

    mp_a[...] = mp
    sp_a[...] = sp_a[...] * jnp.exp2(mp_old - mp) + jnp.sum(ep, axis=0)
    mn_a[...] = mn
    sn_a[...] = sn_a[...] * jnp.exp2(mn_old - mn) + jnp.sum(en, axis=0)

    @pl.when(i == pl.num_programs(0) - 1)
    def _fin():
        LN2 = 0.6931471805599453
        cid = jax.lax.broadcasted_iota(jnp.int32, (1, W), 1)
        col_ok = (cid >= c0) & (cid < c1)
        mp_c = mp_a[...]
        mn_c = jnp.where(col_ok, mn_a[...], NEG)
        sn_c = jnp.where(col_ok, sn_a[...], 0.0)
        Mp = jnp.max(mp_c)
        Mn = jnp.max(mn_c)
        Sp = jnp.sum(sp_a[...] * jnp.exp2(mp_c - Mp))
        Sn = jnp.sum(sn_c * jnp.exp2(mn_c - Mn))
        z = LN2 * (Mp + Mn) + jnp.log(Sp) + jnp.log(Sn)
        o_ref[0, 0] = jnp.maximum(z, 0.0) + jnp.log1p(jnp.exp(-jnp.abs(z)))


def kernel(ypred, truthMask):
    B, H, W = ypred.shape
    mh, mw = truthMask.shape[-2], truthMask.shape[-1]
    r0 = PAD_HT - 1
    r1 = min(PAD_HT - TH + mh + 2, H)
    c0 = PAD_WL - 1
    c1 = min(PAD_WL - TW + mw + 2, W)

    x = ypred.reshape(H, W)
    tm = truthMask.reshape(H * W)

    nrows = 256 if H % 256 == 0 else H
    grid = H // nrows

    out = pl.pallas_call(
        functools.partial(
            _loss_body, nrows=nrows, W=W, r0=r0, r1=r1, c0=c0, c1=c1
        ),
        grid=(grid,),
        in_specs=[
            pl.BlockSpec((nrows, W), lambda i: (i, 0)),
            pl.BlockSpec((nrows * W,), lambda i: (i,)),
        ],
        out_specs=pl.BlockSpec(
            (1, 1), lambda i: (0, 0), memory_space=pltpu.SMEM
        ),
        out_shape=jax.ShapeDtypeStruct((1, 1), jnp.float32),
        scratch_shapes=[
            pltpu.VMEM((8, W), jnp.float32),
            pltpu.VMEM((8, W), jnp.float32),
            pltpu.VMEM((8, W), jnp.float32),
            pltpu.VMEM((8, W), jnp.float32),
        ],
        compiler_params=pltpu.CompilerParams(
            dimension_semantics=("arbitrary",),
        ),
    )(x, tm)
    return out.reshape(B)

# --- scband reference (transcript-rebuilt; emitter-appended) ---
"""Pipeline reference for scband-osmnet-loss-39230231282100 (READ-ONLY COPY).

The authoritative reference and input builder live on the scoring server;
editing this copy changes nothing except your own understanding.
"""

import jax, jax.numpy as jnp
import numpy as np

TH, TW = 15, 15
PAD_HT = (TH - 1) // 2
PAD_WL = (TW - 1) // 2
MARGIN = 0.25
GAMMA = 256.0


def setup_inputs(seed: int = 0) -> dict:
    key = jax.random.key(seed)
    k1, k2 = jax.random.split(key)
    ypred = jax.random.normal(k1, (1, 4096, 4096), dtype=jnp.float32)
    truthMask = jax.random.randint(k2, (1, 4096, 4096), 0, 2).astype(jnp.bool_)
    return {"ypred": ypred, "truthMask": truthMask}


def reference(ypred, truthMask):
    B, H, W = ypred.shape
    mh, mw = truthMask.shape[-2], truthMask.shape[-1]
    # paddingValidMask[..., padHt-1 : padHt-tH+mh+2, padWl-1 : padWl-tW+mw+2] = True
    r0 = PAD_HT - 1
    r1 = min(PAD_HT - TH + mh + 2, H)
    c0 = PAD_WL - 1
    c1 = min(PAD_WL - TW + mw + 2, W)
    paddingValidMask = jnp.zeros(ypred.shape, dtype=jnp.bool_)
    paddingValidMask = paddingValidMask.at[..., r0:r1, c0:c1].set(True)

    ypred = jnp.where(jnp.isinf(ypred), jnp.nan, ypred)
    gt_mapx = truthMask.astype(jnp.bool_)
    gt_map_negx = paddingValidMask & (~gt_mapx)

    flat = ypred.reshape(B, -1)
    pos_mask = gt_mapx.reshape(B, -1)
    neg_mask = gt_map_negx.reshape(B, -1)
    sp = flat
    sn = flat

    ap = jnp.maximum(-jax.lax.stop_gradient(sp) + 1.0 + MARGIN, 0.0)
    an = jnp.maximum(jax.lax.stop_gradient(sn) + MARGIN, 0.0)
    delta_p = 1.0 - MARGIN
    delta_n = MARGIN
    logit_p = -ap * (sp - delta_p) * GAMMA
    logit_n = an * (sn - delta_n) * GAMMA

    ln = jnp.where(neg_mask & (~jnp.isnan(logit_n)), logit_n, -jnp.inf)
    lp = jnp.where(pos_mask & (~jnp.isnan(logit_p)), logit_p, -jnp.inf)
    loss_circle = jax.nn.softplus(
        jax.scipy.special.logsumexp(ln, axis=1)
        + jax.scipy.special.logsumexp(lp, axis=1)
    )
    return loss_circle

if __name__ == "__main__":
    import jax
    _d = setup_inputs()
    print(jax.jit(kernel)(*tuple(_d.values())))

</pallas_src>

<mosaic_0001>
module attributes {stable_mosaic.version = 14 : i64} {
  func.func @_loss_body(%arg0: i32, %arg1: memref<256x4096xf32, #tpu.memory_space<vmem>>, %arg2: memref<1048576xi32, #tpu.memory_space<vmem>>, %arg3: memref<1x1xf32, #tpu.memory_space<smem>>, %arg4: memref<8x4096xf32, #tpu.memory_space<vmem>>, %arg5: memref<8x4096xf32, #tpu.memory_space<vmem>>, %arg6: memref<8x4096xf32, #tpu.memory_space<vmem>>, %arg7: memref<8x4096xf32, #tpu.memory_space<vmem>>) attributes {dimension_semantics = [#tpu.dimension_semantics<arbitrary>], iteration_bounds = array<i64: 16>, scalar_prefetch = 0 : i64, scratch_operands = 4 : i64, tpu.core_type = #tpu.core_type<tc>, window_params = [{transform_indices = @transform_0, window_bounds = array<i64: 256, 4096>}, {transform_indices = @transform_1, window_bounds = array<i64: 1048576>}, {transform_indices = @transform_2, window_bounds = array<i64: 1, 1>}]} {
    %eq3A = arith.constant 0 : i32
    %eq3A_0 = arith.cmpi eq, %arg0, %eq3A : i32
    %convert_element_type3A = arith.extui %eq3A_0 : i1 to i32
    %cond3A = arith.constant 0 : i32
    %cond3A_1 = arith.cmpi ne, %convert_element_type3A, %cond3A : i32
    scf.if %cond3A_1 {
      %broadcast_in_dim3A_98 = arith.constant -1.000000e+30 : f32
      %broadcast_in_dim3A_99 = vector.broadcast %broadcast_in_dim3A_98 : f32 to vector<8x4096xf32>
      %swap3A_100 = arith.constant 0 : index
      %swap3A_101 = arith.constant 0 : index
      %swap3A_102 = vector.load %arg4[%swap3A_100, %swap3A_101] : memref<8x4096xf32, #tpu.memory_space<vmem>>, vector<8x4096xf32>
      tpu.vector_store %arg4[%swap3A_100, %swap3A_101], %broadcast_in_dim3A_99 {strides = array<i32>} : memref<8x4096xf32, #tpu.memory_space<vmem>>, vector<8x4096xf32>,
      %broadcast_in_dim3A_103 = arith.constant 0.000000e+00 : f32
      %broadcast_in_dim3A_104 = vector.broadcast %broadcast_in_dim3A_103 : f32 to vector<8x4096xf32>
      %swap3A_105 = arith.constant 0 : index
      %swap3A_106 = arith.constant 0 : index
      %swap3A_107 = vector.load %arg5[%swap3A_105, %swap3A_106] : memref<8x4096xf32, #tpu.memory_space<vmem>>, vector<8x4096xf32>
      tpu.vector_store %arg5[%swap3A_105, %swap3A_106], %broadcast_in_dim3A_104 {strides = array<i32>} : memref<8x4096xf32, #tpu.memory_space<vmem>>, vector<8x4096xf32>,
      %broadcast_in_dim3A_108 = arith.constant -1.000000e+30 : f32
      %broadcast_in_dim3A_109 = vector.broadcast %broadcast_in_dim3A_108 : f32 to vector<8x4096xf32>
      %swap3A_110 = arith.constant 0 : index
      %swap3A_111 = arith.constant 0 : index
      %swap3A_112 = vector.load %arg6[%swap3A_110, %swap3A_111] : memref<8x4096xf32, #tpu.memory_space<vmem>>, vector<8x4096xf32>
      tpu.vector_store %arg6[%swap3A_110, %swap3A_111], %broadcast_in_dim3A_109 {strides = array<i32>} : memref<8x4096xf32, #tpu.memory_space<vmem>>, vector<8x4096xf32>,
      %broadcast_in_dim3A_113 = arith.constant 0.000000e+00 : f32
      %broadcast_in_dim3A_114 = vector.broadcast %broadcast_in_dim3A_113 : f32 to vector<8x4096xf32>
      %swap3A_115 = arith.constant 0 : index
      %swap3A_116 = arith.constant 0 : index
      %swap3A_117 = vector.load %arg7[%swap3A_115, %swap3A_116] : memref<8x4096xf32, #tpu.memory_space<vmem>>, vector<8x4096xf32>
      tpu.vector_store %arg7[%swap3A_115, %swap3A_116], %broadcast_in_dim3A_114 {strides = array<i32>} : memref<8x4096xf32, #tpu.memory_space<vmem>>, vector<8x4096xf32>,
    } else {
    }
    %get3A = arith.constant 0 : index
    %get3A_2 = arith.constant 0 : index
    %get3A_3 = vector.load %arg1[%get3A, %get3A_2] : memref<256x4096xf32, #tpu.memory_space<vmem>>, vector<256x4096xf32>
    %get3A_4 = arith.constant 0 : index
    %get3A_5 = vector.load %arg2[%get3A_4] : memref<1048576xi32, #tpu.memory_space<vmem>>, vector<1048576xi32>
    %get3A_6 = arith.constant dense<0> : vector<1048576xi32>
    %get3A_7 = arith.cmpi ne, %get3A_5, %get3A_6 : vector<1048576xi32>
    %reshape3A = vector.shape_cast %get3A_7 : vector<1048576xi1> to vector<32x8x4096xi1>
    %iota3A = tpu.iota {dimensions = array<i32: 0>} : vector<256x1xi32>
    %mul3A = arith.constant 256 : i32
    %mul3A_8 = arith.muli %arg0, %mul3A : i32
    %add3A = vector.broadcast %mul3A_8 : i32 to vector<256x1xi32>
    %add3A_9 = arith.addi %iota3A, %add3A : vector<256x1xi32>
    %ge3A = arith.constant 6 : i32
    %ge3A_10 = vector.broadcast %ge3A : i32 to vector<256x1xi32>
    %ge3A_11 = arith.cmpi sge, %add3A_9, %ge3A_10 : vector<256x1xi32>
    %lt3A = arith.constant 4090 : i32
    %lt3A_12 = vector.broadcast %lt3A : i32 to vector<256x1xi32>
    %lt3A_13 = arith.cmpi slt, %add3A_9, %lt3A_12 : vector<256x1xi32>
    %and3A = arith.andi %ge3A_11, %lt3A_13 : vector<256x1xi1>
    %jit3A = arith.constant 0.000000e+00 : f32
    %jit3A_14 = arith.constant -1.000000e+35 : f32
    %broadcast_in_dim3A = vector.broadcast %jit3A : f32 to vector<256x1xf32>
    %broadcast_in_dim3A_15 = vector.broadcast %jit3A_14 : f32 to vector<256x1xf32>
    %select_n3A = arith.select %and3A, %broadcast_in_dim3A, %broadcast_in_dim3A_15 : vector<256x1xi1>, vector<256x1xf32>
    %mul3A_16 = arith.constant 369.329926 : f32
    %mul3A_17 = vector.broadcast %mul3A_16 : f32 to vector<256x4096xf32>
    %mul3A_18 = arith.mulf %get3A_3, %mul3A_17 : vector<256x4096xf32>
    %sub3A = arith.constant 461.662415 : f32
    %sub3A_19 = vector.broadcast %sub3A : f32 to vector<256x4096xf32>
    %sub3A_20 = arith.subf %sub3A_19, %mul3A_18 : vector<256x4096xf32>
    %max3A = arith.constant 0.000000e+00 : f32
    %max3A_21 = vector.broadcast %max3A : f32 to vector<256x4096xf32>
    %max3A_22 = arith.maximumf %sub3A_20, %max3A_21 : vector<256x4096xf32>
    %sub3A_23 = arith.constant 7.500000e-01 : f32
    %sub3A_24 = vector.broadcast %sub3A_23 : f32 to vector<256x4096xf32>
    %sub3A_25 = arith.subf %sub3A_24, %get3A_3 : vector<256x4096xf32>
    %mul3A_26 = arith.mulf %max3A_22, %sub3A_25 : vector<256x4096xf32>
    %add3A_27 = arith.constant 92.3324813 : f32
    %add3A_28 = vector.broadcast %add3A_27 : f32 to vector<256x4096xf32>
    %add3A_29 = arith.addf %mul3A_18, %add3A_28 : vector<256x4096xf32>
    %max3A_30 = arith.constant 0.000000e+00 : f32
    %max3A_31 = vector.broadcast %max3A_30 : f32 to vector<256x4096xf32>
    %max3A_32 = arith.maximumf %add3A_29, %max3A_31 : vector<256x4096xf32>
    %sub3A_33 = arith.constant 2.500000e-01 : f32
    %sub3A_34 = vector.broadcast %sub3A_33 : f32 to vector<256x4096xf32>
    %sub3A_35 = arith.subf %get3A_3, %sub3A_34 : vector<256x4096xf32>
    %mul3A_36 = arith.mulf %max3A_32, %sub3A_35 : vector<256x4096xf32>
    %add3A_37 = vector.broadcast %select_n3A : vector<256x1xf32> to vector<256x4096xf32>
    %add3A_38 = arith.addf %mul3A_36, %add3A_37 : vector<256x4096xf32>
    %reshape3A_39 = vector.shape_cast %mul3A_26 : vector<256x4096xf32> to vector<32x8x4096xf32>
    %jit3A_40 = arith.constant -1.000000e+35 : f32
    %broadcast_in_dim3A_41 = vector.broadcast %jit3A_40 : f32 to vector<32x8x4096xf32>
    %select_n3A_42 = arith.select %reshape3A, %reshape3A_39, %broadcast_in_dim3A_41 : vector<32x8x4096xi1>, vector<32x8x4096xf32>
    %reshape3A_43 = vector.shape_cast %add3A_38 : vector<256x4096xf32> to vector<32x8x4096xf32>
    %jit3A_44 = arith.constant -1.000000e+35 : f32
    %broadcast_in_dim3A_45 = vector.broadcast %jit3A_44 : f32 to vector<32x8x4096xf32>
    %select_n3A_46 = arith.select %reshape3A, %broadcast_in_dim3A_45, %reshape3A_43 : vector<32x8x4096xi1>, vector<32x8x4096xf32>
    %get3A_47 = arith.constant 0 : index
    %get3A_48 = arith.constant 0 : index
    %get3A_49 = vector.load %arg4[%get3A_47, %get3A_48] : memref<8x4096xf32, #tpu.memory_space<vmem>>, vector<8x4096xf32>
    %get3A_50 = arith.constant 0 : index
    %get3A_51 = arith.constant 0 : index
    %get3A_52 = vector.load %arg6[%get3A_50, %get3A_51] : memref<8x4096xf32, #tpu.memory_space<vmem>>, vector<8x4096xf32>
    %reduce_max3A = arith.constant dense<0xFF800000> : vector<8x4096xf32>
    %reduce_max3A_53 = vector.multi_reduction <maximumf>, %select_n3A_42, %reduce_max3A [0] : vector<32x8x4096xf32> to vector<8x4096xf32>
    %max3A_54 = arith.maximumf %get3A_49, %reduce_max3A_53 : vector<8x4096xf32>
    %reduce_max3A_55 = arith.constant dense<0xFF800000> : vector<8x4096xf32>
    %reduce_max3A_56 = vector.multi_reduction <maximumf>, %select_n3A_46, %reduce_max3A_55 [0] : vector<32x8x4096xf32> to vector<8x4096xf32>
    %max3A_57 = arith.maximumf %get3A_52, %reduce_max3A_56 : vector<8x4096xf32>
    %broadcast_in_dim3A_58 = vector.shape_cast %max3A_54 : vector<8x4096xf32> to vector<1x8x4096xf32>
    %sub3A_59 = vector.broadcast %broadcast_in_dim3A_58 : vector<1x8x4096xf32> to vector<32x8x4096xf32>
    %sub3A_60 = arith.subf %select_n3A_42, %sub3A_59 : vector<32x8x4096xf32>
    %exp23A = math.exp2 %sub3A_60 : vector<32x8x4096xf32>
    %broadcast_in_dim3A_61 = vector.shape_cast %max3A_57 : vector<8x4096xf32> to vector<1x8x4096xf32>
    %sub3A_62 = vector.broadcast %broadcast_in_dim3A_61 : vector<1x8x4096xf32> to vector<32x8x4096xf32>
    %sub3A_63 = arith.subf %select_n3A_46, %sub3A_62 : vector<32x8x4096xf32>
    %exp23A_64 = math.exp2 %sub3A_63 : vector<32x8x4096xf32>
    %swap3A = arith.constant 0 : index
    %swap3A_65 = arith.constant 0 : index
    %swap3A_66 = vector.load %arg4[%swap3A, %swap3A_65] : memref<8x4096xf32, #tpu.memory_space<vmem>>, vector<8x4096xf32>
    tpu.vector_store %arg4[%swap3A, %swap3A_65], %max3A_54 {strides = array<i32>} : memref<8x4096xf32, #tpu.memory_space<vmem>>, vector<8x4096xf32>,
    %get3A_67 = arith.constant 0 : index
    %get3A_68 = arith.constant 0 : index
    %get3A_69 = vector.load %arg5[%get3A_67, %get3A_68] : memref<8x4096xf32, #tpu.memory_space<vmem>>, vector<8x4096xf32>
    %sub3A_70 = arith.subf %get3A_49, %max3A_54 : vector<8x4096xf32>
    %exp23A_71 = math.exp2 %sub3A_70 : vector<8x4096xf32>
    %mul3A_72 = arith.mulf %get3A_69, %exp23A_71 : vector<8x4096xf32>
    %reduce_sum3A = arith.constant dense<0.000000e+00> : vector<8x4096xf32>
    %reduce_sum3A_73 = vector.multi_reduction <add>, %exp23A, %reduce_sum3A [0] : vector<32x8x4096xf32> to vector<8x4096xf32>
    %add3A_74 = arith.addf %mul3A_72, %reduce_sum3A_73 : vector<8x4096xf32>
    %swap3A_75 = arith.constant 0 : index
    %swap3A_76 = arith.constant 0 : index
    %swap3A_77 = vector.load %arg5[%swap3A_75, %swap3A_76] : memref<8x4096xf32, #tpu.memory_space<vmem>>, vector<8x4096xf32>
    tpu.vector_store %arg5[%swap3A_75, %swap3A_76], %add3A_74 {strides = array<i32>} : memref<8x4096xf32, #tpu.memory_space<vmem>>, vector<8x4096xf32>,
    %swap3A_78 = arith.constant 0 : index
    %swap3A_79 = arith.constant 0 : index
    %swap3A_80 = vector.load %arg6[%swap3A_78, %swap3A_79] : memref<8x4096xf32, #tpu.memory_space<vmem>>, vector<8x4096xf32>
    tpu.vector_store %arg6[%swap3A_78, %swap3A_79], %max3A_57 {strides = array<i32>} : memref<8x4096xf32, #tpu.memory_space<vmem>>, vector<8x4096xf32>,
    %get3A_81 = arith.constant 0 : index
    %get3A_82 = arith.constant 0 : index
    %get3A_83 = vector.load %arg7[%get3A_81, %get3A_82] : memref<8x4096xf32, #tpu.memory_space<vmem>>, vector<8x4096xf32>
    %sub3A_84 = arith.subf %get3A_52, %max3A_57 : vector<8x4096xf32>
    %exp23A_85 = math.exp2 %sub3A_84 : vector<8x4096xf32>
    %mul3A_86 = arith.mulf %get3A_83, %exp23A_85 : vector<8x4096xf32>
    %reduce_sum3A_87 = arith.constant dense<0.000000e+00> : vector<8x4096xf32>
    %reduce_sum3A_88 = vector.multi_reduction <add>, %exp23A_64, %reduce_sum3A_87 [0] : vector<32x8x4096xf32> to vector<8x4096xf32>
    %add3A_89 = arith.addf %mul3A_86, %reduce_sum3A_88 : vector<8x4096xf32>
    %swap3A_90 = arith.constant 0 : index
    %swap3A_91 = arith.constant 0 : index
    %swap3A_92 = vector.load %arg7[%swap3A_90, %swap3A_91] : memref<8x4096xf32, #tpu.memory_space<vmem>>, vector<8x4096xf32>
    tpu.vector_store %arg7[%swap3A_90, %swap3A_91], %add3A_89 {strides = array<i32>} : memref<8x4096xf32, #tpu.memory_space<vmem>>, vector<8x4096xf32>,
    %eq3A_93 = arith.constant 15 : i32
    %eq3A_94 = arith.cmpi eq, %arg0, %eq3A_93 : i32
    %convert_element_type3A_95 = arith.extui %eq3A_94 : i1 to i32
    %cond3A_96 = arith.constant 0 : i32
    %cond3A_97 = arith.cmpi ne, %convert_element_type3A_95, %cond3A_96 : i32
    scf.if %cond3A_97 {
      %iota3A_98 = tpu.iota {dimensions = array<i32: 1>} : vector<1x4096xi32>
      %ge3A_99 = arith.constant 6 : i32
      %ge3A_100 = vector.broadcast %ge3A_99 : i32 to vector<1x4096xi32>
      %ge3A_101 = arith.cmpi sge, %iota3A_98, %ge3A_100 : vector<1x4096xi32>
      %lt3A_102 = arith.constant 4090 : i32
      %lt3A_103 = vector.broadcast %lt3A_102 : i32 to vector<1x4096xi32>
      %lt3A_104 = arith.cmpi slt, %iota3A_98, %lt3A_103 : vector<1x4096xi32>
      %and3A_105 = arith.andi %ge3A_101, %lt3A_104 : vector<1x4096xi1>
      %get3A_106 = arith.constant 0 : index
      %get3A_107 = arith.constant 0 : index
      %get3A_108 = vector.load %arg4[%get3A_106, %get3A_107] : memref<8x4096xf32, #tpu.memory_space<vmem>>, vector<8x4096xf32>
      %get3A_109 = arith.constant 0 : index
      %get3A_110 = arith.constant 0 : index
      %get3A_111 = vector.load %arg6[%get3A_109, %get3A_110] : memref<8x4096xf32, #tpu.memory_space<vmem>>, vector<8x4096xf32>
      %jit3A_112 = arith.constant -1.000000e+30 : f32
      %broadcast_in_dim3A_113 = vector.shape_cast %and3A_105 : vector<1x4096xi1> to vector<1x4096xi1>
      %broadcast_in_dim3A_114 = vector.broadcast %broadcast_in_dim3A_113 : vector<1x4096xi1> to vector<8x4096xi1>
      %broadcast_in_dim3A_115 = vector.broadcast %jit3A_112 : f32 to vector<8x4096xf32>
      %select_n3A_116 = arith.select %broadcast_in_dim3A_114, %get3A_111, %broadcast_in_dim3A_115 : vector<8x4096xi1>, vector<8x4096xf32>
      %get3A_117 = arith.constant 0 : index
      %get3A_118 = arith.constant 0 : index
      %get3A_119 = vector.load %arg7[%get3A_117, %get3A_118] : memref<8x4096xf32, #tpu.memory_space<vmem>>, vector<8x4096xf32>
      %jit3A_120 = arith.constant 0.000000e+00 : f32
      %broadcast_in_dim3A_121 = vector.shape_cast %and3A_105 : vector<1x4096xi1> to vector<1x4096xi1>
      %broadcast_in_dim3A_122 = vector.broadcast %broadcast_in_dim3A_121 : vector<1x4096xi1> to vector<8x4096xi1>
      %broadcast_in_dim3A_123 = vector.broadcast %jit3A_120 : f32 to vector<8x4096xf32>
      %select_n3A_124 = arith.select %broadcast_in_dim3A_122, %get3A_119, %broadcast_in_dim3A_123 : vector<8x4096xi1>, vector<8x4096xf32>
      %reduce_max3A_125 = vector.shape_cast %get3A_108 : vector<8x4096xf32> to vector<1x8x4096xf32>
      %reduce_max3A_126 = arith.constant dense<0xFF800000> : vector<1xf32>
      %reduce_max3A_127 = vector.multi_reduction <maximumf>, %reduce_max3A_125, %reduce_max3A_126 [1, 2] : vector<1x8x4096xf32> to vector<1xf32>
      %reduce_max3A_128 = vector.shape_cast %reduce_max3A_127 : vector<1xf32> to vector<1x1x1xf32>
      %reduce_max3A_129 = vector.extract %reduce_max3A_128[0, 0, 0] : f32 from vector<1x1x1xf32>
      %reduce_max3A_130 = vector.shape_cast %select_n3A_116 : vector<8x4096xf32> to vector<1x8x4096xf32>
      %reduce_max3A_131 = arith.constant dense<0xFF800000> : vector<1xf32>
      %reduce_max3A_132 = vector.multi_reduction <maximumf>, %reduce_max3A_130, %reduce_max3A_131 [1, 2] : vector<1x8x4096xf32> to vector<1xf32>
      %reduce_max3A_133 = vector.shape_cast %reduce_max3A_132 : vector<1xf32> to vector<1x1x1xf32>
      %reduce_max3A_134 = vector.extract %reduce_max3A_133[0, 0, 0] : f32 from vector<1x1x1xf32>
      %get3A_135 = arith.constant 0 : index
      %get3A_136 = arith.constant 0 : index
      %get3A_137 = vector.load %arg5[%get3A_135, %get3A_136] : memref<8x4096xf32, #tpu.memory_space<vmem>>, vector<8x4096xf32>
      %sub3A_138 = vector.broadcast %reduce_max3A_129 : f32 to vector<8x4096xf32>
      %sub3A_139 = arith.subf %get3A_108, %sub3A_138 : vector<8x4096xf32>
      %exp23A_140 = math.exp2 %sub3A_139 : vector<8x4096xf32>
      %mul3A_141 = arith.mulf %get3A_137, %exp23A_140 : vector<8x4096xf32>
      %reduce_sum3A_142 = vector.shape_cast %mul3A_141 : vector<8x4096xf32> to vector<1x8x4096xf32>
      %reduce_sum3A_143 = arith.constant dense<0.000000e+00> : vector<1xf32>
      %reduce_sum3A_144 = vector.multi_reduction <add>, %reduce_sum3A_142, %reduce_sum3A_143 [1, 2] : vector<1x8x4096xf32> to vector<1xf32>
      %reduce_sum3A_145 = vector.shape_cast %reduce_sum3A_144 : vector<1xf32> to vector<1x1x1xf32>
      %reduce_sum3A_146 = vector.extract %reduce_sum3A_145[0, 0, 0] : f32 from vector<1x1x1xf32>
      %sub3A_147 = vector.broadcast %reduce_max3A_134 : f32 to vector<8x4096xf32>
      %sub3A_148 = arith.subf %select_n3A_116, %sub3A_147 : vector<8x4096xf32>
      %exp23A_149 = math.exp2 %sub3A_148 : vector<8x4096xf32>
      %mul3A_150 = arith.mulf %select_n3A_124, %exp23A_149 : vector<8x4096xf32>
      %reduce_sum3A_151 = vector.shape_cast %mul3A_150 : vector<8x4096xf32> to vector<1x8x4096xf32>
      %reduce_sum3A_152 = arith.constant dense<0.000000e+00> : vector<1xf32>
      %reduce_sum3A_153 = vector.multi_reduction <add>, %reduce_sum3A_151, %reduce_sum3A_152 [1, 2] : vector<1x8x4096xf32> to vector<1xf32>
      %reduce_sum3A_154 = vector.shape_cast %reduce_sum3A_153 : vector<1xf32> to vector<1x1x1xf32>
      %reduce_sum3A_155 = vector.extract %reduce_sum3A_154[0, 0, 0] : f32 from vector<1x1x1xf32>
      %add3A_156 = arith.addf %reduce_max3A_129, %reduce_max3A_134 : f32
      %mul3A_157 = arith.constant 0.693147182 : f32
      %mul3A_158 = arith.mulf %mul3A_157, %add3A_156 : f32
      %log3A = math.log %reduce_sum3A_146 : f32
      %add3A_159 = arith.addf %mul3A_158, %log3A : f32
      %log3A_160 = math.log %reduce_sum3A_155 : f32
      %add3A_161 = arith.addf %add3A_159, %log3A_160 : f32
      %max3A_162 = arith.constant 0.000000e+00 : f32
      %max3A_163 = arith.maximumf %add3A_161, %max3A_162 : f32
      %abs3A = math.absf %add3A_161 : f32
      %neg3A = arith.constant 0.000000e+00 : f32
      %neg3A_164 = arith.subf %neg3A, %abs3A : f32
      %exp3A = math.exp %neg3A_164 : f32
      %log1p3A = math.log1p %exp3A : f32
      %add3A_165 = arith.addf %max3A_163, %log1p3A : f32
      %swap3A_166 = arith.constant 0 : index
      %swap3A_167 = arith.constant 0 : index
      %swap3A_168 = memref.load %arg3[%swap3A_166, %swap3A_167] : memref<1x1xf32, #tpu.memory_space<smem>>
      memref.store %add3A_165, %arg3[%swap3A_166, %swap3A_167] : memref<1x1xf32, #tpu.memory_space<smem>>
    } else {
    }
    return
  }
  func.func @transform_0(%arg0: i32) -> (i32, i32) {
    %c0_i32 = arith.constant 0 : i32
    %c0_i32_0 = arith.constant 0 : i32
    return %arg0, %c0_i32 : i32, i32
  }
  func.func @transform_1(%arg0: i32) -> i32 {
    %c0_i32 = arith.constant 0 : i32
    return %arg0 : i32
  }
  func.func @transform_2(%arg0: i32) -> (i32, i32) {
    %c0_i32 = arith.constant 0 : i32
    %c0_i32_0 = arith.constant 0 : i32
    %c0_i32_1 = arith.constant 0 : i32
    return %c0_i32, %c0_i32_0 : i32, i32
  }
}

</mosaic_0001>

<sc_bundles>
// kernel: sparse-core-data-format-call.cloned.1.call-start
scs
called_computation_lowered:
.L_overlay_start_0:
0x0: {  	s1 =	sld [smem:$0x3FD9]  }
0x1: {  	s2 =	sld [smem:$0x3FFE];
	_ =	sdelay $0x1  }
0x2: {  	s3 =	srdreg.scid  }
0x3: {  	s0 =	sand.u32 $0x1, s3  }
0x4: {  	s17 =	sshll.u32 s0, $0xA;
	s1 =	sadd.s32 s2, s1  }
0x5: {  	s1 =	sadd.s32 s1, s17  }
0x6: {  	[smem:$0x3FC6] =	sst s1  }
0x7: {  	_ = 	snop  }
0x8: {  	(tm) =	ssettm $0x1  }
0x9: {  	s18 =	sld [smem:$0x3FFB];
	_ =	sdelay $0x3  }
0xa: {  	_ =	strace s18  }
0xb: {  	s1 =	sld [smem:$0x3FFC];
	_ =	sdelay $0x3  }
0xc: {  	_ =	strace s1  }
0xd: {  	s1 =	sld [smem:$0x3FFD];
	_ =	sdelay $0x3  }
0xe: {  	_ =	strace s1  }
0xf: {  	_ =	strace $0x8FFFFFFF  }
0x10: {  	s19 =	sld [smem:$0x3FDB];
	_ =	sdelay $0x1  }
0x11: {  	s20 =	simm.s32 $_scs_section_size  }
0x12: {  	s4 =	simm.s32 $_size__tile_overlayer_lowered;
	s5 =	simm.s32 $_tile_overlayer_lowered  }
0x13: {  	s23 =	simm.s32 $0x1BFF;
	s22 =	sshll.u32 s5, $0x1;
	s1 =	sadd.s32 s20, s19  }
0x14: {  	s6 =	simm.s32 $0x0;
	s21 =	sshll.u32 s4, $0x1;
	s4 =	sadd.s32 s22, s1  }
0x15: {  	[timem:s6], [sflag:s23] =	dma.local [hbm:s4], s21  }
0x16: {  	_ =	swait.ge [sflag:s23], s21  }
0x17: {  	s2 =	ssub.s32 $0x0, s21;
	[sflag:s23] =	ssyncset.done $0x0  }
0x18: {  	[sflag:s23] =	ssyncadd.s32 s2;
	_ =	sdelay $0x1  }
0x19: {  	s24 =	simm.s32 $0x1B8B  }
0x1a: {  	_ =	swait.ge [sflag:s24], $0x1  }
0x1b: {  	[sflag:s24] =	ssyncset.done $0x0  }
0x1c: {  	s26 =	simm.s32 $0x1B8E;
	s25 =	sld [smem:$0x3FFE];
	[sflag:s24] =	ssyncadd.s32 $0xFFFFFFFF  }
0x1d: {  	s27 =	simm.s32 $execute0_lowered;
	[smem:$0x3FD2] =	sst s26  }
0x1e: {  	s4 =	sshll.u32 s27, $0x1;
	_ =	strace $0x80000046;
	[dreg:$0x1] =	wrdreg $0xFFFFFFFF  }
0x1f: {  	s28 =	simm.s32 $_size_execute0_lowered;
	s1 =	sadd.s32 s1, s4;
	[dreg:$0x0] =	wrdreg $0x0  }
0x20: {  	s4 =	sshll.u32 s28, $0x1;
	[dreg:$0x2] =	wrdreg s1  }
0x21: {  	[dreg:$0x3] =	wrdreg s4  }
0x22: {  	[dreg:$0x4] =	wrdreg $0xC0  }
0x23: {  	_ =	task [dreg:s6], $0x5FFFF  }
0x24: {  	[dreg:$0x1] =	wrdreg $0xFFFFFFFF  }
0x25: {  	[dreg:$0x0] =	wrdreg $0x60  }
0x26: {  	[dreg:$0x2] =	wrdreg s25  }
0x27: {  	[dreg:$0x3] =	wrdreg $0x9  }
0x28: {  	_ =	task.clear_ibuf [dreg:s6], $0x4FFFF;
	_ =	strace $0x90000046  }
0x29: {  	s29 =	simm.s32 $0x9;
	_ =	strace $0x80000048  }
0x2a: {  	_ =	swait.ge [sflag:s29], $0x1  }
0x2b: {  	[sflag:s29] =	ssyncadd.s32 $0xFFFFFFFF  }
0x2c: {  	_ =	strace $0x90000048  }
0x2d: {  	_ =	sfence  }
0x2e: {  	s30 =	sld [smem:$0x0];
	_ =	sdelay $0x2  }
0x2f: {  	s31 =	sshll.u32 s3, $0xD;
	s3 =	sshrl.u32 s3, $0x2  }
0x30: {  	s2 =	sand.u32 $0x4000, s31;
	s1 =	sadd.s32 s3, s30  }
0x31: {  	s0 =	sor.u32 s2, s0;
	s1 =	sshll.u32 s1, $0x11  }
0x32: {  	s0 =	sor.u32 s1, s0  }
0x33: {  	s0 =	sadd.s32 $0x8F2B, s0  }
0x34: {  	[sflag:s0] =	ssyncadd.remote.s32 $0x1  }
0x35: {  	_ =	sfence.sel $0xFFFF  }
0x36: {  	[dreg:$0x0] =	wrdreg $0xFFFFFFFF;
	(pc) =	sbr.abs _section_cstart, $3  }
0x37: {  	[dreg:$0x1] =	wrdreg $0xFFFFFFFF  }
0x38: {  	_ =	task.clear_ibuf [dreg:s6], $0x2FFFF;
	_ =	strace $0x9FFFFFFF  }
0x39: {  	(tm) =	ssettm $0x7FFFFFFF  }
tec
execute0_lowered:
.L_overlay_start_1:
0x0: {  	(tag) =	ssettag $0x1  }
0x1: {  	s1 =	rddreg [dreg:$0x0]  }
0x2: {  	s0 =	rddreg [dreg:$0x1]  }
0x3: {  	_ =	strace $0x80000047;
	s4 =	srdreg.scid;
	s6 =	simm.s32 $0x2  }
0x4: {  	s11 =	simm.s32 $0x0;
	p0 =	por $0x0, $0x0;
	s7 =	simm.s32 $0x1000  }
.Ltmp0:
0x5: {  	s12 =	simm.s32 $0x0;
	s9 =	simm.s32 $0x0;
	(pc) =	sbr.rel .LBB1_1-.Ltmp0, $4  }
0x6: {  	s2 =	sadd.s32 $0x400, s1;
	s3 =	sadd.s32 $0x200400, s1;
	s5 =	sshll.u32 s4, $0x4  }
0x7: {  	s1 =	stileid.u32;
	s4 =	simm.s32 $0x1;
	s5 =	sand.u32 $0x10, s5  }
0x8: {  	s8 =	simm.s32 $0x0;
	[sflag:s4] =	ssyncpa.u1 $0x0;
	s5 =	sor.u32 s1, s5  }
0x9: {  	[sflag:s6] =	ssyncpa.u1 $0x0;
	s6 =	simm.s32 $0x800;
	s10 =	smov.u32 s5  }
.LBB1_7:
0xa: {  	s13 =	sadd.s32 $0x10, s9  }
0xb: {  	s11 =	sadd.s32 $0x20, s10;
	s15 =	smov.u32 s10;
	p2 =	sgt.s32 s13, $0x1F  }
0xc: {  	p1 =	slt.u32 s8, $0x2;
	s15 =	smov.u32 @p2 s11  }
0xd: {  	s8 =	sadd.s32 $0x1, s8;
	s13 =	simm.s32 @p2 $0x0;
	p2 =	sgt.s32 s15, $0x1FF  }
0xe: {  	s15 =	smov.u32 @p2 s5;
	p2 =	sne.s32 s8, $0x22  }
.Ltmp1:
0xf: {  	_ = 	snop;
	(pc) =	sbr.rel @!p2 .LBB1_8-.Ltmp1, $4  }
0x10: {  	s14 =	simm.s32 @!p1 $0x2  }
0x11: {  	s12 =	smov.u32 s10;
	_ =	swait.ge @!p1 [sflag:s14], $0x4000  }
0x12: {  	p0 =	por !p0, !p0;
	s11 =	smov.u32 s9;
	[sflag:s14] =	ssyncset.done @!p1 $0x0  }
0x13: {  	s9 =	smov.u32 s13;
	[sflag:s14] =	ssyncadd.s32 @!p1 $0xFFFFC000;
	s10 =	smov.u32 s15  }
.LBB1_1:
0x14: {  	p1 =	sgt.u32 s8, $0x1F  }
0x15: {  	s13 =	sxor.u32 @!p1 $0xFFFFFFFF, s8;
	s14 =	sshll.u32 @!p1 s10, $0xC  }
0x16: {  	s15 =	sshll.u32 @!p1 s9, $0x7;
	s13 =	sshll.u32 @!p1 s13, $0xE;
	s14 =	sadd.s32 @!p1 s2, s14  }
0x17: {  	s13 =	sand.u32 @!p1 $0x4000, s13;
	s14 =	sadd.s32 @!p1 s15, s14;
	s15 =	simm.s32 @!p1 $0x0  }
0x18: {  	[tilespmem:s13], [sflag:$0x1] =	stream.linear.gather @!p1 [hbm4b:s14+s15], $0x4000, $0x38;
	[tilespmem:$0x10000] =	vst v63  }
0x19: {  	p1 =	seq.s32 s8, $0x0  }
0x1a: {  	p2 =	seq.s32 @!p1 s8, $0x21  }
0x1b: {  	p1 =	por p1, p2  }
.Ltmp2:
0x1c: {  	_ = 	snop;
	(pc) =	sbr.rel @p1 .LBB1_7-.Ltmp2, $1  }
0x1d: {  	_ =	sdelay $0x3  }
0x1e: {  	s13 =	simm.s32 $0x1;
	_ =	swait.ge [sflag:s4], $0x4000;
	s16 =	sshll.u32 s8, $0xE  }
0x1f: {  	s13 =	simm.s32 @!p0 $0x0;
	[sflag:s4] =	ssyncset.done $0x0;
	s31 =	sand.u32 $0x4000, s16  }
0x20: {  	s16 =	simm.s32 $0x0;
	s14 =	sshll.u32 s13, $0xE;
	[sflag:s4] =	ssyncadd.s32 $0xFFFFC000  }
0x21: {  	s13 =	sor.u32 $0x8040, s14;
	s15 =	sor.u32 $0x40, s14;
	s14 =	sor.u32 $0x8000, s31  }
.LBB1_3:
0x22: {  	v0 =	vmov s15;
	_ =	sdelay $0x3  }
0x23: {  	s18 =	simm.s32 $0x0  }
0x24: {  	v6 =	vld.idx.msk [tilespmem:v0+s18+$0x30 ss:$0x1], $0xffff  }
0x25: {  	v7 =	vld.idx.msk [tilespmem:v0+s18+$0xFFFFFFC0 ss:$0x1], $0xffff  }
0x26: {  	v5 =	vld.idx.msk [tilespmem:v0+s18+$0xFFFFFFD0 ss:$0x1], $0xffff  }
0x27: {  	v4 =	vld.idx.msk [tilespmem:v0+s18+$0xFFFFFFE0 ss:$0x1], $0xffff  }
0x28: {  	v3 =	vld.idx.msk [tilespmem:v0+s18+$0xFFFFFFF0 ss:$0x1], $0xffff  }
0x29: {  	v1 =	vld.idx.msk [tilespmem:v0+s18+$0x0 ss:$0x1], $0xffff  }
0x2a: {  	v2 =	vld.idx.msk [tilespmem:v0+s18+$0x10 ss:$0x1], $0xffff;
	[tilespmem:s13+$0x30] =	vst v6  }
0x2b: {  	s17 =	simm.s32 $0x80;
	s19 =	simm.s32 $0x400;
	[tilespmem:s13+$0xFFFFFFC0] =	vst v7;
	v6 =	vld.idx.msk [tilespmem:v0+s18+$0x20 ss:$0x1], $0xffff;
	s18 =	smov.u32 s13  }
.LBB1_4:
0x2c: {  	p1 =	sne.s32 s19, $0xE00;
	v7 =	vld.idx.msk [tilespmem:v0+s17+$0x30 ss:$0x1], $0xffff;
	[tilespmem:s18+$0xFFFFFFD0] =	vst v5  }
0x2d: {  	v8 =	vld.idx.msk [tilespmem:v0+s17+$0xFFFFFFC0 ss:$0x1], $0xffff;
	[tilespmem:s18+$0xFFFFFFE0] =	vst v4  }
0x2e: {  	v5 =	vld.idx.msk [tilespmem:v0+s17+$0xFFFFFFD0 ss:$0x1], $0xffff;
	[tilespmem:s18+$0xFFFFFFF0] =	vst v3  }
.Ltmp3:
0x2f: {  	v4 =	vld.idx.msk [tilespmem:v0+s17+$0xFFFFFFE0 ss:$0x1], $0xffff;
	[tilespmem:s18+$0x0] =	vst v1;
	(pc) =	sbr.rel @p1 .LBB1_4-.Ltmp3, $4  }
0x30: {  	v3 =	vld.idx.msk [tilespmem:v0+s17+$0xFFFFFFF0 ss:$0x1], $0xffff;
	[tilespmem:s18+$0x10] =	vst v2  }
0x31: {  	v1 =	vld.idx.msk [tilespmem:v0+s17+$0x0 ss:$0x1], $0xffff;
	[tilespmem:s18+$0x20] =	vst v6;
	s18 =	sadd.s32 $0x800, s18  }
0x32: {  	v2 =	vld.idx.msk [tilespmem:v0+s17+$0x10 ss:$0x1], $0xffff;
	[tilespmem:s18+$0x30] =	vst v7  }
0x33: {  	[tilespmem:s18+$0xFFFFFFC0] =	vst v8;
	v6 =	vld.idx.msk [tilespmem:v0+s17+$0x20 ss:$0x1], $0xffff;
	s17 =	sshra.s32 s19, $0x2;
	s19 =	sadd.s32 $0x200, s19  }
0x34: {  	_ =	sdelay $0x2  }
0x35: {  	[tilespmem:s18+$0xFFFFFFD0] =	vst v5  }
0x36: {  	v56 =	vld.idx.msk [tilespmem:v0+s17+$0x30 ss:$0x1], $0xffff;
	[tilespmem:s18+$0xFFFFFFE0] =	vst v4  }
0x37: {  	v57 =	vld.idx.msk [tilespmem:v0+s17+$0xFFFFFFC0 ss:$0x1], $0xffff;
	[tilespmem:s18+$0xFFFFFFF0] =	vst v3  }
0x38: {  	v58 =	vld.idx.msk [tilespmem:v0+s17+$0xFFFFFFD0 ss:$0x1], $0xffff;
	[tilespmem:s18+$0x0] =	vst v1  }
0x39: {  	v59 =	vld.idx.msk [tilespmem:v0+s17+$0xFFFFFFE0 ss:$0x1], $0xffff;
	[tilespmem:s18+$0x10] =	vst v2  }
0x3a: {  	v60 =	vld.idx.msk [tilespmem:v0+s17+$0xFFFFFFF0 ss:$0x1], $0xffff;
	s31 =	sadd.s32 $0x800, s18;
	[tilespmem:s18+$0x20] =	vst v6  }
0x3b: {  	v61 =	vld.idx.msk [tilespmem:v0+s17+$0x0 ss:$0x1], $0xffff;
	[tilespmem:s31+$0x30] =	vst v56  }
0x3c: {  	v62 =	vld.idx.msk [tilespmem:v0+s17+$0x10 ss:$0x1], $0xffff;
	s16 =	sadd.s32 $0x1, s16;
	[tilespmem:s31+$0xFFFFFFC0] =	vst v57  }
0x3d: {  	v63 =	vld.idx.msk [tilespmem:v0+s17+$0x20 ss:$0x1], $0xffff;
	p1 =	sne.s32 s16, $0x10;
	[tilespmem:s31+$0xFFFFFFD0] =	vst v58  }
.Ltmp4:
0x3e: {  	[tilespmem:s31+$0xFFFFFFE0] =	vst v59;
	(pc) =	sbr.rel @p1 .LBB1_3-.Ltmp4, $4  }
0x3f: {  	[tilespmem:s31+$0xFFFFFFF0] =	vst v60  }
0x40: {  	[tilespmem:s31+$0x0] =	vst v61  }
0x41: {  	[tilespmem:s31+$0x10] =	vst v62  }
0x42: {  	s13 =	sadd.s32 $0x80, s13;
	s15 =	sadd.s32 $0x400, s15;
	[tilespmem:s31+$0x20] =	vst v63  }
.Ltmp5:
0x43: {  	(pc) =	sbr.rel .LBB1_7-.Ltmp5, $4  }
0x44: {  	s12 =	sshll.u32 s12, $0xC;
	s11 =	sshll.u32 s11, $0x4  }
0x45: {  	s11 =	sand.u32 $0x1F0, s11;
	s12 =	sadd.s32 s3, s12  }
0x46: {  	s11 =	sadd.s32 s11, s12  }
0x47: {  	[hbm4b:s11+s6] =	stream.strided.scatter [tilespmem:s14], [sflag:$0x2], $0x4000, s7, s6, $0x38;
	[tilespmem:$0x10000] =	vst v63  }
.LBB1_8:
0x48: {  	_ =	sfence.sel $0x180000  }
0x49: {  	s2 =	simm.s32 $0x1;
	[bflag:$0x0] =	sbarrier.arrive $0xFFFF  }
0x4a: {  	s31 =	simm.s32 $0x2;
	[sflag:s2] =	ssyncpa.u1 $0x1  }
0x4b: {  	[sflag:s31] =	ssyncpa.u1 $0x1  }
0x4c: {  	p0 =	sne.s32 s1, $0x0;
	_ =	strace $0x90000047  }
0x4d: {  	s0 =	sadd.s32 @!p0 $0x100000, s0;
	[bflag:$0x2] =	sbarrier.arrive $0xFFFF  }
0x4e: {  	[sflag:s0] =	ssyncadd.tile.s32 @!p0 $0x1;
	_ =	shalt  }
.Lfunc_end1:
_tile_overlayer_lowered:
.L_overlay_start_2:
0x4f: {  	(tag) =	ssettag $0x2  }
0x50: {  	s0 =	rddreg [dreg:$0x0];
	s2 =	stileid.u32  }
0x51: {  	s1 =	rddreg [dreg:$0x1];
	p0 =	sne.s32 s2, $0x0  }
0x52: {  	s3 =	rddreg [dreg:$0x2];
	[bflag:$0x3] =	sbarrier.arrive $0xFFFF;
	s2 =	simm.s32 @!p0 $0x1C01  }
0x53: {  	[timem:s3], [sflag:s2] =	dma.local @!p0 [hbm:s0], s1  }
0x54: {  	s0 =	simm.s32 @!p0 $0x1  }
0x55: {  	_ =	swait.ge @!p0 [sflag:s0], s1  }
0x56: {  	s1 =	ssub.s32 @!p0 $0x0, s1;
	[sflag:s0] =	ssyncset.done @!p0 $0x0  }
0x57: {  	[sflag:s0] =	ssyncadd.s32 @!p0 s1  }
0x58: {  	[bflag:$0x3] =	sbarrier.arrive $0xFFFF  }
0x59: {  	_ =	shalt  }

</sc_bundles>
